<compile_context>
chip_gen: v7x
topology: tpu7x:2x2x1
jax: 0.10.2.dev20260603
libtpu: 0.0.44.dev20260713+nightly
codegen_flags: <defaults>
</compile_context>

<pallas_src>
import functools

import jax
import jax.numpy as jnp
from jax import lax
from jax.experimental import pallas as pl
from jax.experimental.pallas import tpu as pltpu
from jax.experimental.pallas import tpu_sc as plsc

_LANES = 16
_SKILL_PAD = 1024
_PACK_SHIFT = 12


@functools.lru_cache(maxsize=None)
def _make_sc_stats(B, T):
    NC, NS = 2, 16
    NW = NC * NS
    rows_per_w = B // NW
    n_groups = rows_per_w // _LANES
    mesh = plsc.VectorSubcoreMesh(core_axis_name="c", subcore_axis_name="s")
    blk = _LANES * T

    wblk = n_groups * blk

    @functools.partial(
        pl.kernel,
        mesh=mesh,
        compiler_params=pltpu.CompilerParams(needs_layout_passes=False),
        out_type=[jax.ShapeDtypeStruct((B * T,), jnp.float32)] * 2,
        scratch_types=[
            pltpu.VMEM((n_groups * _LANES * _SKILL_PAD,), jnp.int32),
            pltpu.VMEM((wblk,), jnp.int32),
            pltpu.VMEM((wblk,), jnp.int32),
            pltpu.VMEM((wblk,), jnp.float32),
            pltpu.VMEM((wblk,), jnp.float32),
        ],
    )
    def stats(q_hbm, r_hbm, ztbl_hbm, xa_hbm, xm_hbm,
              tbl, qv, rv, xa, xm):
        wid = lax.axis_index("s") * NC + lax.axis_index("c")
        lanes = lax.iota(jnp.int32, _LANES)
        lane_t = lanes * T
        lane_tbl = lanes * _SKILL_PAD
        base = wid * wblk
        pltpu.sync_copy(ztbl_hbm, tbl)
        pltpu.sync_copy(q_hbm.at[pl.ds(base, wblk)], qv)
        pltpu.sync_copy(r_hbm.at[pl.ds(base, wblk)], rv)

        def body(t, carry):
            for g in range(n_groups):
                pos = lane_t + (g * blk + t)
                qt = plsc.load_gather(qv, [pos])
                rt = plsc.load_gather(rv, [pos])
                adr = lane_tbl + (g * _LANES * _SKILL_PAD) + qt
                v = plsc.load_gather(tbl, [adr])
                v2 = v + ((1 << _PACK_SHIFT) + rt)
                plsc.store_scatter(tbl, [adr], v2)
                att = v2 >> _PACK_SHIFT
                cor = v2 & ((1 << _PACK_SHIFT) - 1)
                af = att.astype(jnp.float32)
                mf = cor.astype(jnp.float32) / jnp.maximum(af, 1.0)
                plsc.store_scatter(xa, [pos], af)
                plsc.store_scatter(xm, [pos], mf)
            return carry

        lax.fori_loop(0, T, body, 0)
        pltpu.sync_copy(xa, xa_hbm.at[pl.ds(base, wblk)])
        pltpu.sync_copy(xm, xm_hbm.at[pl.ds(base, wblk)])

    return stats


def _tc_expand_body(xs_ref, xa_ref, xm_ref, e_ref, wp_ref, bp_ref, *rest):
    o_ref = rest[-1]
    g = lax.dot_general(e_ref[...], wp_ref[...], (((0,), (1,)), ((), ())),
                        precision=lax.Precision.HIGHEST,
                        preferred_element_type=jnp.float32)
    gb = jnp.concatenate([g[0:3, :], g[3:4, :] + bp_ref[...]], axis=0)
    ones = jnp.ones(xs_ref.shape, jnp.float32)
    x = jnp.concatenate([xs_ref[...], xa_ref[...], xm_ref[...], ones], axis=0)
    o_ref[...] = lax.dot_general(x, gb, (((0,), (0,)), ((), ())),
                                 preferred_element_type=jnp.float32)


@functools.lru_cache(maxsize=None)
def _make_tc_expand(M, CD, EMB, Rm, nblk, blk0, alias):
    in_specs = [
        pl.BlockSpec((1, Rm), lambda i: (0, i)),
        pl.BlockSpec((1, Rm), lambda i: (0, i)),
        pl.BlockSpec((1, Rm), lambda i: (0, i)),
        pl.BlockSpec((CD, 4), lambda i: (0, 0)),
        pl.BlockSpec((EMB, CD), lambda i: (0, 0)),
        pl.BlockSpec((1, EMB), lambda i: (0, 0)),
    ]
    kwargs = {}
    if alias:
        in_specs.append(pl.BlockSpec(memory_space=pltpu.MemorySpace.HBM))
        kwargs["input_output_aliases"] = {6: 0}
    return pl.pallas_call(
        _tc_expand_body,
        grid=(nblk,),
        in_specs=in_specs,
        out_specs=pl.BlockSpec((Rm, EMB), lambda i: (blk0 + i, 0)),
        out_shape=jax.ShapeDtypeStruct((M, EMB), jnp.float32),
        **kwargs,
    )


def kernel(q, r, qry, Ws, bs, Wn, bn, Wm, bm, Wp, bp):
    B, T = q.shape
    EMB, CD = Wp.shape
    o1 = CD // 3
    f32 = jnp.float32
    q = q.astype(jnp.int32)
    r = r.astype(jnp.int32)

    M = B * T
    n_groups = (B // 32) // _LANES
    ztbl = jnp.zeros((n_groups * _LANES * _SKILL_PAD,), jnp.int32)
    xa, xm = _make_sc_stats(B, T)(q.reshape(M), r.reshape(M), ztbl)
    xs = q.reshape(M).astype(f32)

    z = lambda n: jnp.zeros((n,), f32)
    col0 = jnp.concatenate([Ws[:, 0], z(CD - o1)])
    col1 = jnp.concatenate([z(o1), Wn[:, 0], z(CD - 2 * o1)])
    col2 = jnp.concatenate([z(2 * o1), Wm[:, 0]])
    col3 = jnp.concatenate([bs, bn, bm])
    e_mat = jnp.stack([col0, col1, col2, col3], axis=1)

    Rm = 25600
    out = _make_tc_expand(M, CD, EMB, Rm, M // Rm, 0, False)(
        xs.reshape(1, M), xa.reshape(1, M), xm.reshape(1, M),
        e_mat, Wp, bp.reshape(1, EMB))
    return out.reshape(B, T, EMB)

# --- scband reference (transcript-rebuilt; emitter-appended) ---
"""Pipeline reference for scband-trajectory-encoder-87737591922948 (READ-ONLY COPY).

The authoritative reference and input builder live on the scoring server;
editing this copy changes nothing except your own understanding.
"""

import jax, jax.numpy as jnp
import numpy as np

NUM_SKILLS = 1000
EMB_SIZE = 128
CURVE_DIM = 64
B, T = 1024, 200


def setup_inputs(seed: int = 0) -> dict:
    key = jax.random.key(seed)
    ks = jax.random.split(key, 11)
    q = jax.random.randint(ks[0], (B, T), 0, NUM_SKILLS)
    r = jax.random.randint(ks[1], (B, T), 0, 2)
    qry = jax.random.randint(ks[2], (B, T), 0, NUM_SKILLS)
    o1 = CURVE_DIM // 3
    o3 = CURVE_DIM // 3 + CURVE_DIM % 3
    Ws = jax.random.normal(ks[3], (o1, 1), dtype=jnp.float32) * 0.1
    bs = jax.random.normal(ks[4], (o1,), dtype=jnp.float32) * 0.1
    Wn = jax.random.normal(ks[5], (o1, 1), dtype=jnp.float32) * 0.1
    bn = jax.random.normal(ks[6], (o1,), dtype=jnp.float32) * 0.1
    Wm = jax.random.normal(ks[7], (o3, 1), dtype=jnp.float32) * 0.1
    bm = jax.random.normal(ks[8], (o3,), dtype=jnp.float32) * 0.1
    Wp = jax.random.normal(ks[9], (EMB_SIZE, CURVE_DIM), dtype=jnp.float32) * 0.05
    bp = jax.random.normal(ks[10], (EMB_SIZE,), dtype=jnp.float32) * 0.05
    return {"q": q, "r": r, "qry": qry, "Ws": Ws, "bs": bs, "Wn": Wn, "bn": bn, "Wm": Wm, "bm": bm, "Wp": Wp, "bp": bp}


def reference(q, r, qry, Ws, bs, Wn, bn, Wm, bm, Wp, bp):
    # Vectorized version of the per-(b,t) running skill statistics:
    #   attempts[b,t] = #{t' <= t : q[b,t'] == q[b,t] and q[b,t'] valid}
    #   correct[b,t]  = sum of r[b,t'] over those t'
    #   mastery[b,t]  = correct / attempts
    qf = q.astype(jnp.float32)
    rf = r.astype(jnp.float32)
    valid = (q >= 0) & (q < NUM_SKILLS)
    eq = (q[:, :, None] == q[:, None, :]) & valid[:, None, :]
    eq = eq.astype(jnp.float32)
    tri = jnp.tril(jnp.ones((T, T), dtype=jnp.float32))  # include t' == t
    hist = eq * tri  # [B, T(t), T(t')]
    attempts = jnp.sum(hist, axis=-1)
    correct = jnp.sum(hist * rf[:, None, :], axis=-1)
    mastery = correct / jnp.maximum(attempts, 1.0)
    # Linear(1, out): y = x * W[:,0] + b
    s_enc = qf[..., None] * Ws[:, 0] + bs
    n_enc = attempts[..., None] * Wn[:, 0] + bn
    m_enc = mastery[..., None] * Wm[:, 0] + bm
    tuple_enc = jnp.concatenate([s_enc, n_enc, m_enc], axis=-1)  # [B, T, CURVE_DIM]
    traj = tuple_enc @ Wp.T + bp  # [B, T, EMB_SIZE]
    traj = jnp.where(valid[..., None], traj, 0.0)
    return traj

if __name__ == "__main__":
    import jax
    _d = setup_inputs()
    print(jax.jit(kernel)(*tuple(_d.values())))

</pallas_src>

<mosaic_0001>
#map = affine_map<(d0, d1) -> (0)>
module attributes {stable_mosaic.version = 14 : i64} {
  func.func @stats(%arg0: i32, %arg1: i32, %arg2: memref<204800xi32, #tpu.memory_space<hbm>>, %arg3: memref<204800xi32, #tpu.memory_space<hbm>>, %arg4: memref<32768xi32, #tpu.memory_space<hbm>>, %arg5: memref<204800xf32, #tpu.memory_space<hbm>>, %arg6: memref<204800xf32, #tpu.memory_space<hbm>>, %arg7: memref<32768xi32, #tpu.memory_space<vmem>>, %arg8: memref<6400xi32, #tpu.memory_space<vmem>>, %arg9: memref<6400xi32, #tpu.memory_space<vmem>>, %arg10: memref<6400xf32, #tpu.memory_space<vmem>>, %arg11: memref<6400xf32, #tpu.memory_space<vmem>>) attributes {dimension_semantics = [#tpu.dimension_semantics<core_parallel>, #tpu.dimension_semantics<subcore_parallel>], iteration_bounds = array<i64: 2, 16>, scalar_prefetch = 0 : i64, scratch_operands = 5 : i64, tpu.core_type = #tpu.core_type<sc_vector_subcore>, window_params = [{transform_indices = #map}, {transform_indices = #map}, {transform_indices = #map}, {transform_indices = #map}, {transform_indices = #map}]} {
    %mul3A = arith.constant 2 : i32
    %mul3A_0 = arith.muli %arg1, %mul3A : i32
    %add3A = arith.addi %mul3A_0, %arg0 : i32
    %iota3A = tpu.iota {dimensions = array<i32: 0>} : vector<16xi32>
    %mul3A_1 = arith.constant 200 : i32
    %mul3A_2 = vector.broadcast %mul3A_1 : i32 to vector<16xi32>
    %mul3A_3 = arith.muli %iota3A, %mul3A_2 : vector<16xi32>
    %mul3A_4 = arith.constant 1024 : i32
    %mul3A_5 = vector.broadcast %mul3A_4 : i32 to vector<16xi32>
    %mul3A_6 = arith.muli %iota3A, %mul3A_5 : vector<16xi32>
    %mul3A_7 = arith.constant 6400 : i32
    %mul3A_8 = arith.muli %add3A, %mul3A_7 : i32
    "tpu.region"() ({
      %run_scoped3A = tpu.sem_alloc : memref<!tpu.dma_semaphore, #tpu.memory_space<semaphore_mem>>
      tpu.enqueue_dma source(%arg4 : memref<32768xi32, #tpu.memory_space<hbm>>) target(%arg7 : memref<32768xi32, #tpu.memory_space<vmem>>) target_semaphore(%run_scoped3A : memref<!tpu.dma_semaphore, #tpu.memory_space<semaphore_mem>>)
      tpu.wait_dma2 semaphore(%run_scoped3A : memref<!tpu.dma_semaphore, #tpu.memory_space<semaphore_mem>>) src(%arg4 : memref<32768xi32, #tpu.memory_space<hbm>>) dst(%arg7 : memref<32768xi32, #tpu.memory_space<vmem>>)
      tpu.yield
    }) : () -> ()
    "tpu.region"() ({
      %run_scoped3A = tpu.sem_alloc : memref<!tpu.dma_semaphore, #tpu.memory_space<semaphore_mem>>
      %dma_start3A = tpu.memref_slice %arg2[%mul3A_8] : memref<204800xi32, #tpu.memory_space<hbm>> -> memref<6400xi32, #tpu.memory_space<hbm>>
      %dma_start3A_14 = tpu.memref_slice %arg2[%mul3A_8] : memref<204800xi32, #tpu.memory_space<hbm>> -> memref<6400xi32, #tpu.memory_space<hbm>>
      tpu.enqueue_dma source(%dma_start3A_14 : memref<6400xi32, #tpu.memory_space<hbm>>) target(%arg8 : memref<6400xi32, #tpu.memory_space<vmem>>) target_semaphore(%run_scoped3A : memref<!tpu.dma_semaphore, #tpu.memory_space<semaphore_mem>>)
      %dma_wait3A = tpu.memref_slice %arg2[%mul3A_8] : memref<204800xi32, #tpu.memory_space<hbm>> -> memref<6400xi32, #tpu.memory_space<hbm>>
      %dma_wait3A_15 = tpu.memref_slice %arg2[%mul3A_8] : memref<204800xi32, #tpu.memory_space<hbm>> -> memref<6400xi32, #tpu.memory_space<hbm>>
      tpu.wait_dma2 semaphore(%run_scoped3A : memref<!tpu.dma_semaphore, #tpu.memory_space<semaphore_mem>>) src(%dma_wait3A_15 : memref<6400xi32, #tpu.memory_space<hbm>>) dst(%arg8 : memref<6400xi32, #tpu.memory_space<vmem>>)
      tpu.yield
    }) : () -> ()
    "tpu.region"() ({
      %run_scoped3A = tpu.sem_alloc : memref<!tpu.dma_semaphore, #tpu.memory_space<semaphore_mem>>
      %dma_start3A = tpu.memref_slice %arg3[%mul3A_8] : memref<204800xi32, #tpu.memory_space<hbm>> -> memref<6400xi32, #tpu.memory_space<hbm>>
      %dma_start3A_14 = tpu.memref_slice %arg3[%mul3A_8] : memref<204800xi32, #tpu.memory_space<hbm>> -> memref<6400xi32, #tpu.memory_space<hbm>>
      tpu.enqueue_dma source(%dma_start3A_14 : memref<6400xi32, #tpu.memory_space<hbm>>) target(%arg9 : memref<6400xi32, #tpu.memory_space<vmem>>) target_semaphore(%run_scoped3A : memref<!tpu.dma_semaphore, #tpu.memory_space<semaphore_mem>>)
      %dma_wait3A = tpu.memref_slice %arg3[%mul3A_8] : memref<204800xi32, #tpu.memory_space<hbm>> -> memref<6400xi32, #tpu.memory_space<hbm>>
      %dma_wait3A_15 = tpu.memref_slice %arg3[%mul3A_8] : memref<204800xi32, #tpu.memory_space<hbm>> -> memref<6400xi32, #tpu.memory_space<hbm>>
      tpu.wait_dma2 semaphore(%run_scoped3A : memref<!tpu.dma_semaphore, #tpu.memory_space<semaphore_mem>>) src(%dma_wait3A_15 : memref<6400xi32, #tpu.memory_space<hbm>>) dst(%arg9 : memref<6400xi32, #tpu.memory_space<vmem>>)
      tpu.yield
    }) : () -> ()
    %scan3A = arith.constant 0 : i32
    %scan3A_9 = arith.constant 0 : i32
    %scan3A_10 = arith.constant 200 : i32
    %scan3A_11 = arith.addi %scan3A_9, %scan3A_10 : i32
    %scan3A_12 = arith.constant 1 : i32
    scf.for %scan3A_14 = %scan3A_9 to %scan3A_11 step %scan3A_12  : i32 {
      %add3A_15 = arith.constant 0 : i32
      %add3A_16 = arith.addi %add3A_15, %scan3A_14 : i32
      %add3A_17 = vector.broadcast %add3A_16 : i32 to vector<16xi32>
      %add3A_18 = arith.addi %mul3A_3, %add3A_17 : vector<16xi32>
      %gather3A = tpu.vector_load_idx %arg8[%add3A_18] : memref<6400xi32, #tpu.memory_space<vmem>>[vector<16xi32>], vector<16xi32>,
      %gather3A_19 = tpu.vector_load_idx %arg9[%add3A_18] : memref<6400xi32, #tpu.memory_space<vmem>>[vector<16xi32>], vector<16xi32>,
      %add3A_20 = arith.constant 0 : i32
      %add3A_21 = vector.broadcast %add3A_20 : i32 to vector<16xi32>
      %add3A_22 = arith.addi %mul3A_6, %add3A_21 : vector<16xi32>
      %add3A_23 = arith.addi %add3A_22, %gather3A : vector<16xi32>
      %gather3A_24 = tpu.vector_load_idx %arg7[%add3A_23] : memref<32768xi32, #tpu.memory_space<vmem>>[vector<16xi32>], vector<16xi32>,
      %add3A_25 = arith.constant 4096 : i32
      %add3A_26 = vector.broadcast %add3A_25 : i32 to vector<16xi32>
      %add3A_27 = arith.addi %add3A_26, %gather3A_19 : vector<16xi32>
      %add3A_28 = arith.addi %gather3A_24, %add3A_27 : vector<16xi32>
      tpu.vector_store_idx %arg7[%add3A_23], %add3A_28 : memref<32768xi32, #tpu.memory_space<vmem>>[vector<16xi32>], vector<16xi32>,
      %shift_right_arithmetic3A = arith.constant 12 : i32
      %shift_right_arithmetic3A_29 = vector.broadcast %shift_right_arithmetic3A : i32 to vector<16xi32>
      %shift_right_arithmetic3A_30 = arith.shrsi %add3A_28, %shift_right_arithmetic3A_29 : vector<16xi32>
      %and3A = arith.constant 4095 : i32
      %and3A_31 = vector.broadcast %and3A : i32 to vector<16xi32>
      %and3A_32 = arith.andi %add3A_28, %and3A_31 : vector<16xi32>
      %convert_element_type3A = arith.sitofp %shift_right_arithmetic3A_30 : vector<16xi32> to vector<16xf32>
      %convert_element_type3A_33 = arith.sitofp %and3A_32 : vector<16xi32> to vector<16xf32>
      %max3A = arith.constant 1.000000e+00 : f32
      %max3A_34 = vector.broadcast %max3A : f32 to vector<16xf32>
      %max3A_35 = arith.maximumf %convert_element_type3A, %max3A_34 : vector<16xf32>
      %div3A = arith.divf %convert_element_type3A_33, %max3A_35 : vector<16xf32>
      tpu.vector_store_idx %arg10[%add3A_18], %convert_element_type3A : memref<6400xf32, #tpu.memory_space<vmem>>[vector<16xi32>], vector<16xf32>,
      tpu.vector_store_idx %arg11[%add3A_18], %div3A : memref<6400xf32, #tpu.memory_space<vmem>>[vector<16xi32>], vector<16xf32>,
      %add3A_36 = arith.constant 3200 : i32
      %add3A_37 = arith.addi %add3A_36, %scan3A_14 : i32
      %add3A_38 = vector.broadcast %add3A_37 : i32 to vector<16xi32>
      %add3A_39 = arith.addi %mul3A_3, %add3A_38 : vector<16xi32>
      %gather3A_40 = tpu.vector_load_idx %arg8[%add3A_39] : memref<6400xi32, #tpu.memory_space<vmem>>[vector<16xi32>], vector<16xi32>,
      %gather3A_41 = tpu.vector_load_idx %arg9[%add3A_39] : memref<6400xi32, #tpu.memory_space<vmem>>[vector<16xi32>], vector<16xi32>,
      %add3A_42 = arith.constant 16384 : i32
      %add3A_43 = vector.broadcast %add3A_42 : i32 to vector<16xi32>
      %add3A_44 = arith.addi %mul3A_6, %add3A_43 : vector<16xi32>
      %add3A_45 = arith.addi %add3A_44, %gather3A_40 : vector<16xi32>
      %gather3A_46 = tpu.vector_load_idx %arg7[%add3A_45] : memref<32768xi32, #tpu.memory_space<vmem>>[vector<16xi32>], vector<16xi32>,
      %add3A_47 = arith.constant 4096 : i32
      %add3A_48 = vector.broadcast %add3A_47 : i32 to vector<16xi32>
      %add3A_49 = arith.addi %add3A_48, %gather3A_41 : vector<16xi32>
      %add3A_50 = arith.addi %gather3A_46, %add3A_49 : vector<16xi32>
      tpu.vector_store_idx %arg7[%add3A_45], %add3A_50 : memref<32768xi32, #tpu.memory_space<vmem>>[vector<16xi32>], vector<16xi32>,
      %shift_right_arithmetic3A_51 = arith.constant 12 : i32
      %shift_right_arithmetic3A_52 = vector.broadcast %shift_right_arithmetic3A_51 : i32 to vector<16xi32>
      %shift_right_arithmetic3A_53 = arith.shrsi %add3A_50, %shift_right_arithmetic3A_52 : vector<16xi32>
      %and3A_54 = arith.constant 4095 : i32
      %and3A_55 = vector.broadcast %and3A_54 : i32 to vector<16xi32>
      %and3A_56 = arith.andi %add3A_50, %and3A_55 : vector<16xi32>
      %convert_element_type3A_57 = arith.sitofp %shift_right_arithmetic3A_53 : vector<16xi32> to vector<16xf32>
      %convert_element_type3A_58 = arith.sitofp %and3A_56 : vector<16xi32> to vector<16xf32>
      %max3A_59 = arith.constant 1.000000e+00 : f32
      %max3A_60 = vector.broadcast %max3A_59 : f32 to vector<16xf32>
      %max3A_61 = arith.maximumf %convert_element_type3A_57, %max3A_60 : vector<16xf32>
      %div3A_62 = arith.divf %convert_element_type3A_58, %max3A_61 : vector<16xf32>
      tpu.vector_store_idx %arg10[%add3A_39], %convert_element_type3A_57 : memref<6400xf32, #tpu.memory_space<vmem>>[vector<16xi32>], vector<16xf32>,
      tpu.vector_store_idx %arg11[%add3A_39], %div3A_62 : memref<6400xf32, #tpu.memory_space<vmem>>[vector<16xi32>], vector<16xf32>,
    }
    %scan3A_13 = arith.constant 200 : i32
    "tpu.region"() ({
      %run_scoped3A = tpu.sem_alloc : memref<!tpu.dma_semaphore, #tpu.memory_space<semaphore_mem>>
      %dma_start3A = tpu.memref_slice %arg5[%mul3A_8] : memref<204800xf32, #tpu.memory_space<hbm>> -> memref<6400xf32, #tpu.memory_space<hbm>>
      %dma_start3A_14 = tpu.memref_slice %arg5[%mul3A_8] : memref<204800xf32, #tpu.memory_space<hbm>> -> memref<6400xf32, #tpu.memory_space<hbm>>
      tpu.enqueue_dma source(%arg10 : memref<6400xf32, #tpu.memory_space<vmem>>) target(%dma_start3A_14 : memref<6400xf32, #tpu.memory_space<hbm>>) target_semaphore(%run_scoped3A : memref<!tpu.dma_semaphore, #tpu.memory_space<semaphore_mem>>)
      %dma_wait3A = tpu.memref_slice %arg5[%mul3A_8] : memref<204800xf32, #tpu.memory_space<hbm>> -> memref<6400xf32, #tpu.memory_space<hbm>>
      %dma_wait3A_15 = tpu.memref_slice %arg5[%mul3A_8] : memref<204800xf32, #tpu.memory_space<hbm>> -> memref<6400xf32, #tpu.memory_space<hbm>>
      tpu.wait_dma2 semaphore(%run_scoped3A : memref<!tpu.dma_semaphore, #tpu.memory_space<semaphore_mem>>) src(%arg10 : memref<6400xf32, #tpu.memory_space<vmem>>) dst(%dma_wait3A_15 : memref<6400xf32, #tpu.memory_space<hbm>>)
      tpu.yield
    }) : () -> ()
    "tpu.region"() ({
      %run_scoped3A = tpu.sem_alloc : memref<!tpu.dma_semaphore, #tpu.memory_space<semaphore_mem>>
      %dma_start3A = tpu.memref_slice %arg6[%mul3A_8] : memref<204800xf32, #tpu.memory_space<hbm>> -> memref<6400xf32, #tpu.memory_space<hbm>>
      %dma_start3A_14 = tpu.memref_slice %arg6[%mul3A_8] : memref<204800xf32, #tpu.memory_space<hbm>> -> memref<6400xf32, #tpu.memory_space<hbm>>
      tpu.enqueue_dma source(%arg11 : memref<6400xf32, #tpu.memory_space<vmem>>) target(%dma_start3A_14 : memref<6400xf32, #tpu.memory_space<hbm>>) target_semaphore(%run_scoped3A : memref<!tpu.dma_semaphore, #tpu.memory_space<semaphore_mem>>)
      %dma_wait3A = tpu.memref_slice %arg6[%mul3A_8] : memref<204800xf32, #tpu.memory_space<hbm>> -> memref<6400xf32, #tpu.memory_space<hbm>>
      %dma_wait3A_15 = tpu.memref_slice %arg6[%mul3A_8] : memref<204800xf32, #tpu.memory_space<hbm>> -> memref<6400xf32, #tpu.memory_space<hbm>>
      tpu.wait_dma2 semaphore(%run_scoped3A : memref<!tpu.dma_semaphore, #tpu.memory_space<semaphore_mem>>) src(%arg11 : memref<6400xf32, #tpu.memory_space<vmem>>) dst(%dma_wait3A_15 : memref<6400xf32, #tpu.memory_space<hbm>>)
      tpu.yield
    }) : () -> ()
    return
  }
}

module attributes {stable_mosaic.version = 14 : i64} {
  func.func @_tc_expand_body(%arg0: i32, %arg1: memref<1x25600xf32, #tpu.memory_space<vmem>>, %arg2: memref<1x25600xf32, #tpu.memory_space<vmem>>, %arg3: memref<1x25600xf32, #tpu.memory_space<vmem>>, %arg4: memref<64x4xf32, #tpu.memory_space<vmem>>, %arg5: memref<128x64xf32, #tpu.memory_space<vmem>>, %arg6: memref<1x128xf32, #tpu.memory_space<vmem>>, %arg7: memref<25600x128xf32, #tpu.memory_space<vmem>>) attributes {dimension_semantics = [#tpu.dimension_semantics<arbitrary>], iteration_bounds = array<i64: 8>, scalar_prefetch = 0 : i64, scratch_operands = 0 : i64, tpu.core_type = #tpu.core_type<tc>, window_params = [{transform_indices = @transform_0, window_bounds = array<i64: 1, 25600>}, {transform_indices = @transform_1, window_bounds = array<i64: 1, 25600>}, {transform_indices = @transform_2, window_bounds = array<i64: 1, 25600>}, {pipeline_mode = #tpu.pipeline_mode<synchronous>, transform_indices = @transform_3, window_bounds = array<i64: 64, 4>}, {pipeline_mode = #tpu.pipeline_mode<synchronous>, transform_indices = @transform_4, window_bounds = array<i64: 128, 64>}, {pipeline_mode = #tpu.pipeline_mode<synchronous>, transform_indices = @transform_5, window_bounds = array<i64: 1, 128>}, {transform_indices = @transform_6, window_bounds = array<i64: 25600, 128>}]} {
    %get3A = arith.constant 0 : index
    %get3A_0 = arith.constant 0 : index
    %get3A_1 = vector.load %arg4[%get3A, %get3A_0] : memref<64x4xf32, #tpu.memory_space<vmem>>, vector<64x4xf32>
    %get3A_2 = arith.constant 0 : index
    %get3A_3 = arith.constant 0 : index
    %get3A_4 = vector.load %arg5[%get3A_2, %get3A_3] : memref<128x64xf32, #tpu.memory_space<vmem>>, vector<128x64xf32>
    %dot_general3A = arith.constant dense<0.000000e+00> : vector<4x128xf32>
    %dot_general3A_5 = tpu.matmul %get3A_1, %get3A_4, %dot_general3A {dimension_numbers = #tpu.dot_dimension_numbers<[0], [1], [1], [0], [0, 1, 1, 0], [], []>, precision = #tpu.contract_precision<fp32>, transpose_lhs_hint = false} : vector<64x4xf32>, vector<128x64xf32>, vector<4x128xf32> -> vector<4x128xf32>
    %slice3A = vector.extract_strided_slice %dot_general3A_5 {offsets = [0, 0], sizes = [3, 128], strides = [1, 1]} : vector<4x128xf32> to vector<3x128xf32>
    %slice3A_6 = vector.extract_strided_slice %dot_general3A_5 {offsets = [3, 0], sizes = [1, 128], strides = [1, 1]} : vector<4x128xf32> to vector<1x128xf32>
    %get3A_7 = arith.constant 0 : index
    %get3A_8 = arith.constant 0 : index
    %get3A_9 = vector.load %arg6[%get3A_7, %get3A_8] : memref<1x128xf32, #tpu.memory_space<vmem>>, vector<1x128xf32>
    %add3A = arith.addf %slice3A_6, %get3A_9 : vector<1x128xf32>
    %concatenate3A = tpu.concatenate %slice3A, %add3A in 0 : vector<3x128xf32>, vector<1x128xf32> -> vector<4x128xf32>
    %broadcast_in_dim3A = arith.constant 1.000000e+00 : f32
    %broadcast_in_dim3A_10 = vector.broadcast %broadcast_in_dim3A : f32 to vector<1x25600xf32>
    %get3A_11 = arith.constant 0 : index
    %get3A_12 = arith.constant 0 : index
    %get3A_13 = vector.load %arg1[%get3A_11, %get3A_12] : memref<1x25600xf32, #tpu.memory_space<vmem>>, vector<1x25600xf32>
    %get3A_14 = arith.constant 0 : index
    %get3A_15 = arith.constant 0 : index
    %get3A_16 = vector.load %arg2[%get3A_14, %get3A_15] : memref<1x25600xf32, #tpu.memory_space<vmem>>, vector<1x25600xf32>
    %get3A_17 = arith.constant 0 : index
    %get3A_18 = arith.constant 0 : index
    %get3A_19 = vector.load %arg3[%get3A_17, %get3A_18] : memref<1x25600xf32, #tpu.memory_space<vmem>>, vector<1x25600xf32>
    %concatenate3A_20 = tpu.concatenate %get3A_13, %get3A_16, %get3A_19, %broadcast_in_dim3A_10 in 0 : vector<1x25600xf32>, vector<1x25600xf32>, vector<1x25600xf32>, vector<1x25600xf32> -> vector<4x25600xf32>
    %dot_general3A_21 = arith.constant dense<0.000000e+00> : vector<25600x128xf32>
    %dot_general3A_22 = tpu.matmul %concatenate3A_20, %concatenate3A, %dot_general3A_21 {dimension_numbers = #tpu.dot_dimension_numbers<[0], [0], [1], [1], [0, 1, 1, 1], [], []>, transpose_lhs_hint = false} : vector<4x25600xf32>, vector<4x128xf32>, vector<25600x128xf32> -> vector<25600x128xf32>
    %swap3A = arith.constant 0 : index
    %swap3A_23 = arith.constant 0 : index
    %swap3A_24 = vector.load %arg7[%swap3A, %swap3A_23] : memref<25600x128xf32, #tpu.memory_space<vmem>>, vector<25600x128xf32>
    tpu.vector_store %arg7[%swap3A, %swap3A_23], %dot_general3A_22 {strides = array<i32>} : memref<25600x128xf32, #tpu.memory_space<vmem>>, vector<25600x128xf32>,
    return
  }
  func.func @transform_0(%arg0: i32) -> (i32, i32) {
    %c0_i32 = arith.constant 0 : i32
    %c0_i32_0 = arith.constant 0 : i32
    return %c0_i32, %arg0 : i32, i32
  }
  func.func @transform_1(%arg0: i32) -> (i32, i32) {
    %c0_i32 = arith.constant 0 : i32
    %c0_i32_0 = arith.constant 0 : i32
    return %c0_i32, %arg0 : i32, i32
  }
  func.func @transform_2(%arg0: i32) -> (i32, i32) {
    %c0_i32 = arith.constant 0 : i32
    %c0_i32_0 = arith.constant 0 : i32
    return %c0_i32, %arg0 : i32, i32
  }
  func.func @transform_3(%arg0: i32) -> (i32, i32) {
    %c0_i32 = arith.constant 0 : i32
    %c0_i32_0 = arith.constant 0 : i32
    %c0_i32_1 = arith.constant 0 : i32
    return %c0_i32, %c0_i32_0 : i32, i32
  }
  func.func @transform_4(%arg0: i32) -> (i32, i32) {
    %c0_i32 = arith.constant 0 : i32
    %c0_i32_0 = arith.constant 0 : i32
    %c0_i32_1 = arith.constant 0 : i32
    return %c0_i32, %c0_i32_0 : i32, i32
  }
  func.func @transform_5(%arg0: i32) -> (i32, i32) {
    %c0_i32 = arith.constant 0 : i32
    %c0_i32_0 = arith.constant 0 : i32
    %c0_i32_1 = arith.constant 0 : i32
    return %c0_i32, %c0_i32_0 : i32, i32
  }
  func.func @transform_6(%arg0: i32) -> (i32, i32) {
    %add3A = arith.constant 0 : i32
    %add3A_0 = arith.addi %add3A, %arg0 : i32
    %c0_i32 = arith.constant 0 : i32
    %c0_i32_1 = arith.constant 0 : i32
    return %add3A_0, %c0_i32 : i32, i32
  }
}

</mosaic_0001>

<sc_bundles>
// kernel: kernel.4.cloned.1.call-start
scs
__scs_entry_jumppad:
0x0: {  	(pc) =	sbr.rel $0x88, $3  }
0x1: {  	(tag) =	ssettag $0x0;
	lr =	simm.s32 $0x1  }
0x2: {  	[smem:$0x3F97] =	sst lr;
	_ =	strace $0xD0000000  }
0x3: {  	_ = 	snop  }
0x4: {  	_ = 	snop  }
0x5: {  	_ = 	snop  }
0x6: {  	_ = 	snop  }
0x7: {  	_ = 	snop  }
__scs_overlays_trampoline_lowered:
0x8: {  	[smem:$0x3FA6] =	sst s0  }
0x9: {  	[smem:$0x3FA7] =	sst s1  }
0xa: {  	[smem:$0x3FA8] =	sst s2  }
0xb: {  	[smem:$0x3FA9] =	sst s3  }
0xc: {  	[smem:$0x3FAA] =	sst s4  }
0xd: {  	[smem:$0x3FAB] =	sst s5  }
0xe: {  	[smem:$0x3FAC] =	sst s6  }
0xf: {  	[smem:$0x3FAD] =	sst s7  }
0x10: {  	[smem:$0x3FAE] =	sst s8  }
0x11: {  	[smem:$0x3FAF] =	sst s9;
	s0 =	simm.s32 @!p0 $0x0  }
0x12: {  	s1 =	sld [smem:$0x3F95];
	s0 =	simm.s32 @p0 $0x1  }
0x13: {  	[smem:$0x3FB0] =	sst s0;
	s0 =	simm.s32 @!p1 $0x0  }
0x14: {  	s2 =	sld [smem:$0x3F94];
	s0 =	simm.s32 @p1 $0x1  }
0x15: {  	[smem:$0x3FB1] =	sst s0;
	s0 =	simm.s32 @!p2 $0x0  }
0x16: {  	s3 =	sld [smem:$0x3FDB];
	s0 =	simm.s32 @p2 $0x1  }
0x17: {  	s4 =	simm.s32 $0x1BF5;
	[smem:$0x3FB3] =	sst s0  }
0x18: {  	s0 =	sld [smem:$0x3F96];
	_ =	swait.ge [sflag:s4], $0x0  }
0x19: {  	s7 =	sld [smem:$0x3F97]  }
0x1a: {  	s8 =	sadd.s32 $0xFFFFE003, lr  }
0x1b: {  	s9 =	sadd.s32 $0xFFFFFEF7, lr;
	s5 =	simm.s32 $0xFFFFFFFF;
	p2 =	slt.u32 s8, $0xFFFFF086  }
0x1c: {  	p1 =	slt.u32 s9, $0xF7A;
	s5 =	simm.s32 @!p2 $0x0  }
0x1d: {  	s5 =	simm.s32 @p1 $0x1;
	p0 =	seq.s32 s7, s2  }
0x1e: {  	s7 =	smul.u32 @!p0 $0xF7A, s2;
	p2 =	seq.s32 @!p0 s5, $0x0  }
0x1f: {  	s9 =	smul.u32 $0xF7A, s1;
	s8 =	simm.s32 @!p0 $0x1BF5;
	p2 =	por !p2, p0  }
0x20: {  	[sflag:s8] =	ssyncset.s32 @!p0 $0xFFFFF086;
	s6 =	sadd.s32 @!p0 s3, s7;
	s7 =	simm.s32 @!p0 $0x108  }
0x21: {  	s3 =	sadd.s32 s3, s9;
	s6 =	sadd.s32 @!p0 $0x88, s6;
	s7 =	simm.s32 @p2 $0x1082  }
0x22: {  	[simem:s7], [sflag:s8] =	dma.local @!p0 [hbm:s6], $0xF7A  }
0x23: {  	s9 =	sor.u32 $0xD0000000, s2;
	s6 =	simm.s32 $0x108;
	_ =	swait.ge @!p0 [sflag:s8], $0x0  }
0x24: {  	s3 =	sadd.s32 $0x88, s3;
	s6 =	simm.s32 @!p1 $0x1082;
	[sflag:s4] =	ssyncset.s32 $0xFFFFF086  }
0x25: {  	[simem:s6], [sflag:s4] =	dma.local [hbm:s3], $0xF7A  }
0x26: {  	[smem:$0x3F97] =	sst s1;
	(tag) =	ssettag s2;
	_ =	strace s9  }
0x27: {  	s1 =	sld [smem:$0x3FA7]  }
0x28: {  	s2 =	sld [smem:$0x3FA8]  }
0x29: {  	s4 =	sld [smem:$0x3FAA]  }
0x2a: {  	p0 =	seq.s32 s5, $0x0;
	s5 =	sld [smem:$0x3FAB]  }
0x2b: {  	s6 =	sld [smem:$0x3FAC]  }
0x2c: {  	s7 =	sld [smem:$0x3FAD]  }
0x2d: {  	s3 =	simm.s32 $0x108;
	s8 =	sld [smem:$0x3FAE]  }
0x2e: {  	s3 =	simm.s32 @!p0 $0x1082;
	s9 =	sld [smem:$0x3FAF]  }
0x2f: {  	lr =	sadd.s32 s0, s3;
	s0 =	sld [smem:$0x3FA6]  }
0x30: {  	s3 =	sld [smem:$0x3FA9]  }
0x31: {  	[smem:$0x3FB2] =	sst s10  }
0x32: {  	s10 =	sld [smem:$0x3FB0];
	_ =	sdelay $0x3  }
0x33: {  	p0 =	seq.s32 s10, $0x1;
	s10 =	sld [smem:$0x3FB2];
	_ =	sdelay $0x3  }
0x34: {  	[smem:$0x3FB2] =	sst s10  }
0x35: {  	s10 =	sld [smem:$0x3FB1];
	_ =	sdelay $0x3  }
0x36: {  	p1 =	seq.s32 s10, $0x1;
	s10 =	sld [smem:$0x3FB2];
	_ =	sdelay $0x3  }
0x37: {  	[smem:$0x3FB2] =	sst s10  }
0x38: {  	s10 =	sld [smem:$0x3FB3]  }
0x39: {  	_ = 	snop;
	(pc) =	sbr.ind lr, $3  }
0x3a: {  	_ = 	snop  }
0x3b: {  	_ = 	snop  }
0x3c: {  	p2 =	seq.s32 s10, $0x1;
	s10 =	sld [smem:$0x3FB2]  }
0x3d: {  	_ =	shalt  }
0x3e: {  	_ =	shalt  }
0x3f: {  	_ =	shalt  }
0x40: {  	_ =	shalt  }
0x41: {  	_ =	shalt  }
0x42: {  	_ =	shalt  }
0x43: {  	_ =	shalt  }
0x44: {  	_ =	shalt  }
0x45: {  	_ =	shalt  }
0x46: {  	_ =	shalt  }
0x47: {  	_ =	shalt  }
0x48: {  	_ =	shalt  }
0x49: {  	_ =	shalt  }
0x4a: {  	_ =	shalt  }
0x4b: {  	_ =	shalt  }
0x4c: {  	_ =	shalt  }
0x4d: {  	_ =	shalt  }
0x4e: {  	_ =	shalt  }
0x4f: {  	_ =	shalt  }
0x50: {  	_ =	shalt  }
0x51: {  	_ =	shalt  }
0x52: {  	_ =	shalt  }
0x53: {  	_ =	shalt  }
0x54: {  	_ =	shalt  }
0x55: {  	_ =	shalt  }
0x56: {  	_ =	shalt  }
0x57: {  	_ =	shalt  }
0x58: {  	_ =	shalt  }
0x59: {  	_ =	shalt  }
0x5a: {  	_ =	shalt  }
0x5b: {  	_ =	shalt  }
0x5c: {  	_ =	shalt  }
0x5d: {  	_ =	shalt  }
0x5e: {  	_ =	shalt  }
0x5f: {  	_ =	shalt  }
0x60: {  	_ =	shalt  }
0x61: {  	_ =	shalt  }
0x62: {  	_ =	shalt  }
0x63: {  	_ =	shalt  }
0x64: {  	_ =	shalt  }
0x65: {  	_ =	shalt  }
0x66: {  	_ =	shalt  }
0x67: {  	_ =	shalt  }
0x68: {  	_ =	shalt  }
0x69: {  	_ =	shalt  }
0x6a: {  	_ =	shalt  }
0x6b: {  	_ =	shalt  }
0x6c: {  	_ =	shalt  }
0x6d: {  	_ =	shalt  }
0x6e: {  	_ =	shalt  }
0x6f: {  	_ =	shalt  }
0x70: {  	_ =	shalt  }
0x71: {  	_ =	shalt  }
0x72: {  	_ =	shalt  }
0x73: {  	_ =	shalt  }
0x74: {  	_ =	shalt  }
0x75: {  	_ =	shalt  }
0x76: {  	_ =	shalt  }
0x77: {  	_ =	shalt  }
0x78: {  	_ =	shalt  }
0x79: {  	_ =	shalt  }
0x7a: {  	_ =	shalt  }
0x7b: {  	_ =	shalt  }
0x7c: {  	_ =	shalt  }
0x7d: {  	_ =	shalt  }
0x7e: {  	_ =	shalt  }
0x7f: {  	_ =	shalt  }
0x80: {  	_ =	shalt  }
0x81: {  	_ =	shalt  }
0x82: {  	_ =	shalt  }
0x83: {  	_ =	shalt  }
0x84: {  	_ =	shalt  }
0x85: {  	_ =	shalt  }
0x86: {  	_ =	shalt  }
0x87: {  	_ =	shalt  }
.Lfunc_end0:
.L_simem_size_0:
called_computation_lowered:
.L_overlay_start_0:
0x88: {  	s2 =	sld [smem:$0x3FD9]  }
0x89: {  	s3 =	sld [smem:$0x3FFE];
	_ =	sdelay $0x1  }
0x8a: {  	s1 =	srdreg.scid  }
0x8b: {  	s0 =	sand.u32 $0x1, s1  }
0x8c: {  	s17 =	sshll.u32 s0, $0xA;
	s2 =	sadd.s32 s3, s2  }
0x8d: {  	s2 =	sadd.s32 s2, s17  }
0x8e: {  	[smem:$0x3FBE] =	sst s2  }
0x8f: {  	_ = 	snop  }
0x90: {  	s2 =	sld [smem:$0x3FD0];
	(tm) =	ssettm $0x1  }
0x91: {  	s18 =	sld [smem:$0x3FFB];
	_ =	sdelay $0x3  }
0x92: {  	_ =	strace s18  }
0x93: {  	s3 =	sld [smem:$0x3FFC];
	_ =	sdelay $0x3  }
0x94: {  	_ =	strace s3  }
0x95: {  	s3 =	sld [smem:$0x3FFD];
	_ =	sdelay $0x3  }
0x96: {  	_ =	strace s3  }
0x97: {  	_ =	strace $0x8FFFFFFF  }
0x98: {  	s19 =	sld [smem:$0x3FDB];
	_ =	sdelay $0x1  }
0x99: {  	s4 =	simm.s32 $_scs_section_size  }
0x9a: {  	s5 =	simm.s32 $_size__tile_overlayer_lowered;
	s6 =	simm.s32 $_tile_overlayer_lowered  }
0x9b: {  	s22 =	simm.s32 $0x1BFF;
	s21 =	sshll.u32 s6, $0x1;
	s3 =	sadd.s32 s4, s19  }
0x9c: {  	s7 =	simm.s32 $0x0;
	s20 =	sshll.u32 s5, $0x1;
	s5 =	sadd.s32 s21, s3  }
0x9d: {  	[timem:s7], [sflag:s22] =	dma.local [hbm:s5], s20  }
0x9e: {  	_ =	swait.ge [sflag:s22], s20  }
0x9f: {  	s4 =	ssub.s32 $0x0, s20;
	[sflag:s22] =	ssyncset.done $0x0  }
0xa0: {  	[sflag:s22] =	ssyncadd.s32 s4;
	_ =	sdelay $0x1  }
0xa1: {  	s23 =	simm.s32 $0x1B8B  }
0xa2: {  	_ =	swait.ge [sflag:s23], $0x1  }
0xa3: {  	[sflag:s23] =	ssyncset.done $0x0  }
0xa4: {  	s25 =	simm.s32 $0x1B8E;
	s24 =	sld [smem:$0x3FFE];
	[sflag:s23] =	ssyncadd.s32 $0xFFFFFFFF  }
0xa5: {  	s26 =	simm.s32 $execute0_lowered;
	[smem:$0x3FD2] =	sst s25  }
0xa6: {  	s5 =	sshll.u32 s26, $0x1;
	_ =	strace $0x80000046;
	[dreg:$0x1] =	wrdreg $0xFFFFFFFF  }
0xa7: {  	s28 =	simm.s32 $_size_execute0_lowered;
	s3 =	sadd.s32 s3, s5;
	[dreg:$0x0] =	wrdreg $0x0  }
0xa8: {  	s5 =	sshll.u32 s28, $0x1;
	[dreg:$0x2] =	wrdreg s3  }
0xa9: {  	[dreg:$0x3] =	wrdreg s5  }
0xaa: {  	[dreg:$0x4] =	wrdreg $0xC0  }
0xab: {  	_ =	task [dreg:s7], $0x5FFFF  }
0xac: {  	[dreg:$0x1] =	wrdreg $0xFFFFFFFF  }
0xad: {  	[dreg:$0x0] =	wrdreg $0x60  }
0xae: {  	[dreg:$0x2] =	wrdreg s2  }
0xaf: {  	[dreg:$0x3] =	wrdreg s24  }
0xb0: {  	[dreg:$0x4] =	wrdreg $0x9  }
0xb1: {  	_ =	task.clear_ibuf [dreg:s7], $0x5FFFF;
	_ =	strace $0x90000046  }
0xb2: {  	s29 =	simm.s32 $0x9;
	_ =	strace $0x80000048  }
0xb3: {  	_ =	swait.ge [sflag:s29], $0x1  }
0xb4: {  	[sflag:s29] =	ssyncadd.s32 $0xFFFFFFFF  }
0xb5: {  	_ =	strace $0x90000048  }
0xb6: {  	_ =	sfence  }
0xb7: {  	s30 =	sld [smem:$0x0];
	_ =	sdelay $0x2  }
0xb8: {  	s31 =	sshll.u32 s1, $0xD;
	s1 =	sshrl.u32 s1, $0x2  }
0xb9: {  	s3 =	sand.u32 $0x4000, s31;
	s1 =	sadd.s32 s1, s30  }
0xba: {  	s0 =	sor.u32 s3, s0;
	s1 =	sshll.u32 s1, $0x11  }
0xbb: {  	s0 =	sor.u32 s1, s0  }
0xbc: {  	s0 =	sadd.s32 $0x8F2B, s0  }
0xbd: {  	[sflag:s0] =	ssyncadd.remote.s32 $0x1  }
0xbe: {  	_ =	sfence.sel $0xFFFF  }
0xbf: {  	[dreg:$0x0] =	wrdreg $0xFFFFFFFF;
	(pc) =	sbr.abs _section_cstart, $3  }
0xc0: {  	[dreg:$0x1] =	wrdreg $0xFFFFFFFF  }
0xc1: {  	_ =	task.clear_ibuf [dreg:s7], $0x2FFFF;
	_ =	strace $0x9FFFFFFF  }
0xc2: {  	(tm) =	ssettm $0x7FFFFFFF  }
0xc3: {  	_ =	shalt  }
tec
execute0_lowered:
.L_overlay_start_1:
0x0: {  	(tag) =	ssettag $0x1  }
0x1: {  	s4 =	rddreg [dreg:$0x0];
	s1 =	srdreg.scid  }
0x2: {  	s0 =	stileid.u32;
	s5 =	rddreg [dreg:$0x1]  }
0x3: {  	s2 =	simm.s32 $0x0;
	s10 =	simm.s32 $0x8000;
	s11 =	simm.s32 $0x9900  }
0x4: {  	s12 =	simm.s32 $0xB200;
	s3 =	sand.u32 $0x1, s1;
	s6 =	sshll.u32 s0, $0x1  }
0x5: {  	s13 =	simm.s32 $0xCB00;
	s14 =	simm.s32 $0x0;
	s6 =	sor.u32 s3, s6  }
0x6: {  	[smem:$0x7FF] =	sst s2;
	s7 =	ssub.s32 $0x2, s3;
	s6 =	smul.u32 $0x320, s6  }
0x7: {  	v1 =	vlaneseq.u32;
	s1 =	rddreg [dreg:$0x2];
	_ =	strace $0x80000047;
	s31 =	sshrl.u32 s7, $0x1  }
0x8: {  	v0 =	vmul.u32 $0x400, v1;
	s3 =	sadd.s32 $0x7600, s5;
	s9 =	ssub.s32 s7, s31;
	s8 =	sadd.s32 s6, s5  }
0x9: {  	v1 =	vmul.u32 $0xC8, v1;
	s4 =	sadd.s32 s4, s6;
	s5 =	sadd.s32 $0x1200, s8;
	s6 =	sadd.s32 $0x8600, s8  }
0xa: {  	v2 =	vor.u32 $0x4000, v0;
	s7 =	sadd.s32 $0xEA00, s8;
	s8 =	smax.u32 s9, $0x1;
	s9 =	simm.s32 $0x1  }
.LBB2_1:
0xb: {  	[tilespmem:s2], [sflag:$0x1] =	stream.linear.gather [hbm4b:s3+s2], $0x8000, $0x38;
	[tilespmem:$0xE400] =	vst v63  }
0xc: {  	_ =	swait.ge [sflag:s9], $0x8000  }
0xd: {  	[sflag:s9] =	ssyncset.done $0x0  }
0xe: {  	[sflag:s9] =	ssyncadd.s32 $0xFFFF8000  }
0xf: {  	[tilespmem:s10], [sflag:$0x1] =	stream.linear.gather [hbm4b:s4+s2], $0x1900, $0x38;
	[tilespmem:$0xE400] =	vst v63  }
0x10: {  	_ =	swait.ge [sflag:s9], $0x1900  }
0x11: {  	[sflag:s9] =	ssyncset.done $0x0  }
0x12: {  	[sflag:s9] =	ssyncadd.s32 $0xFFFFE700  }
0x13: {  	[tilespmem:s11], [sflag:$0x1] =	stream.linear.gather [hbm4b:s5+s2], $0x1900, $0x38;
	[tilespmem:$0xE400] =	vst v63  }
0x14: {  	_ =	swait.ge [sflag:s9], $0x1900  }
0x15: {  	[sflag:s9] =	ssyncset.done $0x0  }
0x16: {  	s15 =	simm.s32 $0x0;
	[sflag:s9] =	ssyncadd.s32 $0xFFFFE700  }
.LBB2_2:
0x17: {  	v3 =	vadd.s32 s15, v1;
	_ =	sdelay $0x4  }
0x18: {  	v4 =	vld.idx.msk [tilespmem:v3+s10+$0x0], $0xffff;
	_ =	sdelay $0x4  }
0x19: {  	v4 =	vadd.s32 v0, v4;
	_ =	sdelay $0x3  }
0x1a: {  	v5 =	vld.idx.msk [tilespmem:v3+s11+$0x0], $0xffff  }
0x1b: {  	v6 =	vld.idx.msk [tilespmem:v4+s2+$0x0], $0xffff;
	_ =	sdelay $0x4  }
0x1c: {  	v5 =	vadd.s32 v6, v5  }
0x1d: {  	v5 =	vadd.s32 $0x1000, v5  }
0x1e: {  	v57 =	vshra.s32 v5, $0xC  }
0x1f: {  	v6 =	vcvt.s32.f32 v57;
	_ =	sdelay $0x1  }
0x20: {  	v7 =	vmax.f32 v6, $1.000000000e+00  }
0x21: {  	(erf) = vrcp.f32 v7;
	_ =	sdelay $0x6  }
0x22: {  	s16 =	sadd.s32 $0xC80, s15;
	v58 =	vand.u32 $0xFFF, v5  }
0x23: {  	v8 =	vadd.s32 s16, v1;
	v7 =	vcvt.s32.f32 v58  }
0x24: {  	v9 =	vpop (erf)  }
0x25: {  	[tilespmem:v4+s2+$0x0] =	vst.idx.msk $0xffff, v5;
	v59 =	vmul.f32 v7, v9  }
0x26: {  	[tilespmem:v3+s12+$0x0] =	vst.idx.msk $0xffff, v6  }
0x27: {  	[tilespmem:v3+s13+$0x0] =	vst.idx.msk $0xffff, v59  }
0x28: {  	v3 =	vld.idx.msk [tilespmem:v8+s10+$0x0], $0xffff;
	_ =	sdelay $0x4  }
0x29: {  	v3 =	vadd.s32 v2, v3;
	_ =	sdelay $0x3  }
0x2a: {  	v4 =	vld.idx.msk [tilespmem:v8+s11+$0x0], $0xffff  }
0x2b: {  	v5 =	vld.idx.msk [tilespmem:v3+s2+$0x0], $0xffff;
	_ =	sdelay $0x4  }
0x2c: {  	v4 =	vadd.s32 v5, v4  }
0x2d: {  	v4 =	vadd.s32 $0x1000, v4  }
0x2e: {  	v60 =	vshra.s32 v4, $0xC  }
0x2f: {  	v5 =	vcvt.s32.f32 v60;
	_ =	sdelay $0x1  }
0x30: {  	v61 =	vmax.f32 v5, $1.000000000e+00  }
0x31: {  	(erf) = vrcp.f32 v61;
	_ =	sdelay $0x6  }
0x32: {  	p0 =	sne.s32 s15, $0xC7;
	v62 =	vand.u32 $0xFFF, v4  }
.Ltmp0:
0x33: {  	v6 =	vcvt.s32.f32 v62;
	(pc) =	sbr.rel @p0 .LBB2_2-.Ltmp0, $4  }
0x34: {  	v63 =	vpop (erf)  }
0x35: {  	[tilespmem:v3+s2+$0x0] =	vst.idx.msk $0xffff, v4;
	v3 =	vmul.f32 v6, v63  }
0x36: {  	[tilespmem:v8+s12+$0x0] =	vst.idx.msk $0xffff, v5  }
0x37: {  	s15 =	sadd.s32 $0x1, s15;
	[tilespmem:v8+s13+$0x0] =	vst.idx.msk $0xffff, v3  }
0x38: {  	[hbm4b:s6+s2] =	stream.linear.scatter [tilespmem:s12], [sflag:$0x1], $0x1900, $0x38;
	[tilespmem:$0xE400] =	vst v63  }
0x39: {  	s14 =	sadd.s32 $0x1, s14;
	_ =	swait.ge [sflag:s9], $0x1900  }
0x3a: {  	p0 =	sne.s32 s14, s8;
	[sflag:s9] =	ssyncset.done $0x0  }
.Ltmp1:
0x3b: {  	[sflag:s9] =	ssyncadd.s32 $0xFFFFE700;
	(pc) =	sbr.rel @p0 .LBB2_1-.Ltmp1, $4  }
0x3c: {  	[hbm4b:s7+s2] =	stream.linear.scatter [tilespmem:s13], [sflag:$0x1], $0x1900, $0x38;
	[tilespmem:$0xE400] =	vst v63  }
0x3d: {  	_ =	swait.ge [sflag:s9], $0x1900  }
0x3e: {  	[sflag:s9] =	ssyncset.done $0x0  }
0x3f: {  	[sflag:s9] =	ssyncadd.s32 $0xFFFFE700  }
0x40: {  	_ =	sfence.sel $0x180000  }
0x41: {  	[bflag:$0x0] =	sbarrier.arrive $0xFFFF  }
0x42: {  	p0 =	sne.s32 s0, $0x0;
	_ =	strace $0x90000047  }
0x43: {  	s0 =	sadd.s32 @!p0 $0x100000, s1;
	[bflag:$0x2] =	sbarrier.arrive $0xFFFF  }
0x44: {  	[sflag:s0] =	ssyncadd.tile.s32 @!p0 $0x1;
	_ =	shalt  }
.Lfunc_end2:
_tile_overlayer_lowered:
.L_overlay_start_2:
0x45: {  	(tag) =	ssettag $0x2  }
0x46: {  	s0 =	rddreg [dreg:$0x0];
	s2 =	stileid.u32  }
0x47: {  	s1 =	rddreg [dreg:$0x1];
	p0 =	sne.s32 s2, $0x0  }
0x48: {  	s3 =	rddreg [dreg:$0x2];
	[bflag:$0x3] =	sbarrier.arrive $0xFFFF;
	s2 =	simm.s32 @!p0 $0x1C01  }
0x49: {  	[timem:s3], [sflag:s2] =	dma.local @!p0 [hbm:s0], s1  }
0x4a: {  	s0 =	simm.s32 @!p0 $0x1  }
0x4b: {  	_ =	swait.ge @!p0 [sflag:s0], s1  }
0x4c: {  	s1 =	ssub.s32 @!p0 $0x0, s1;
	[sflag:s0] =	ssyncset.done @!p0 $0x0  }
0x4d: {  	[sflag:s0] =	ssyncadd.s32 @!p0 s1  }
0x4e: {  	[bflag:$0x3] =	sbarrier.arrive $0xFFFF  }
0x4f: {  	_ =	shalt  }

</sc_bundles>
